<compile_context>
chip_gen: v7x
topology: tpu7x:2x2x1
jax: 0.10.2.dev20260603
libtpu: 0.0.44.dev20260713+nightly
codegen_flags: <defaults>
</compile_context>

<pallas_src>
import functools

import jax
import jax.numpy as jnp
from jax.experimental import pallas as pl
from jax.experimental.pallas import tpu as pltpu
from jax.experimental.pallas import tpu_sc as plsc

B = 16
POSE_DIM = 72
SD_DIM = 72
FC_DIM = 1024
LATENT_DIM = 256
NUM_EMB = 1024
COMMIT = 0.25


def _conv2d(x, w, b, stride, pad):
    y = jax.lax.conv_general_dilated(
        x.astype(jnp.bfloat16), w.transpose(2, 3, 1, 0).astype(jnp.bfloat16),
        (stride, stride), [(pad, pad), (pad, pad)],
        dimension_numbers=("NHWC", "HWIO", "NHWC"),
        preferred_element_type=jnp.float32)
    return y + b[None, None, None, :]


def _maxpool3x3s2(x):
    return jax.lax.reduce_window(x, -jnp.inf, jax.lax.max, (1, 3, 3, 1), (1, 2, 2, 1), "VALID")



def _c1_kernel(xs_ref, w2_ref, b_ref, out_ref, p2_ref):
    p2_ref[:, 55:64, :] = jnp.zeros((55, 9, 432), jnp.float32)
    for qy in range(3):
        for qx in range(3):
            q = qy * 3 + qx
            p2_ref[:, 0:55, 48 * q:48 * (q + 1)] = xs_ref[0, qy:qy + 55, qx:qx + 55, :]
    p2 = p2_ref[...].reshape(55 * 64, 432)
    acc = jax.lax.dot_general(
        p2.astype(jnp.bfloat16), w2_ref[...].astype(jnp.bfloat16),
        (((1,), (0,)), ((), ())), preferred_element_type=jnp.float32)
    acc = jax.nn.relu(acc + b_ref[...])
    out_ref[...] = acc.reshape(1, 55, 64, 64)


def _conv1_s2d_pallas(x, w, b):
    n = x.shape[0]
    xp = jnp.pad(x, ((0, 0), (0, 0), (2, 2), (2, 2)))
    xs = xp.reshape(n, 3, 57, 4, 57, 4)
    xs = xs.transpose(0, 2, 4, 1, 3, 5).reshape(n, 57, 57, 48)
    wp = jnp.pad(w, ((0, 0), (0, 0), (0, 1), (0, 1)))
    ws = wp.reshape(64, 3, 3, 4, 3, 4)
    ws = ws.transpose(0, 1, 3, 5, 2, 4).reshape(64, 48, 3, 3)
    w2 = ws.transpose(2, 3, 1, 0).reshape(432, 64)
    y = pl.pallas_call(
        _c1_kernel,
        grid=(n,),
        in_specs=[
            pl.BlockSpec((1, 57, 57, 48), lambda i: (i, 0, 0, 0)),
            pl.BlockSpec((432, 64), lambda i: (0, 0)),
            pl.BlockSpec((1, 64), lambda i: (0, 0)),
        ],
        out_specs=pl.BlockSpec((1, 55, 64, 64), lambda i: (i, 0, 0, 0)),
        out_shape=jax.ShapeDtypeStruct((n, 55, 64, 64), jnp.float32),
        scratch_shapes=[pltpu.VMEM((55, 64, 432), jnp.float32)],
    )(xs, w2, b.reshape(1, 64))
    return y[:, :, :55, :]


def _alexnet_features(x, p):
    x = x.transpose(0, 2, 3, 1)
    x = jax.nn.relu(_conv2d(x, p["c1w"], p["c1b"], 4, 2))
    x = _maxpool3x3s2(x)
    x = jax.nn.relu(_conv2d(x, p["c2w"], p["c2b"], 1, 2))
    x = _maxpool3x3s2(x)
    x = jax.nn.relu(_conv2d(x, p["c3w"], p["c3b"], 1, 1))
    x = jax.nn.relu(_conv2d(x, p["c4w"], p["c4b"], 1, 1))
    x = jax.nn.relu(_conv2d(x, p["c5w"], p["c5b"], 1, 1))
    x = _maxpool3x3s2(x)
    x = x.transpose(0, 3, 1, 2)
    return x.reshape(x.shape[0], -1)



def _sc_gather_kernel(emb_hbm, idx_hbm, out_hbm, idx_v, rows_v, sem):
    first = ((jax.lax.axis_index("c") == 0) & (jax.lax.axis_index("s") == 0))

    @pl.when(first)
    def _():
        pltpu.sync_copy(idx_hbm, idx_v)
        pltpu.async_copy(emb_hbm.at[idx_v], rows_v, sem).wait()
        pltpu.sync_copy(rows_v, out_hbm)


def _sc_codebook_gather(emb, idx):
    kfn = functools.partial(
        pl.kernel,
        mesh=plsc.VectorSubcoreMesh(core_axis_name="c", subcore_axis_name="s"),
        out_type=jax.ShapeDtypeStruct((B, LATENT_DIM), jnp.float32),
        scratch_types=[
            pltpu.VMEM((B,), jnp.int32),
            pltpu.VMEM((B, LATENT_DIM), jnp.float32),
            pltpu.SemaphoreType.DMA,
        ],
    )
    return kfn(_sc_gather_kernel)(emb, idx)


def _mm_t(a, w):
    return jax.lax.dot_general(a, w, (((1,), (1,)), ((), ())),
                               preferred_element_type=jnp.float32)


def _vq_kernel(lat_ref, emb_ref, loss_ref, q_ref, perp_ref, idx_ref):
    lat = lat_ref[...]
    emb = emb_ref[...]
    d = (jnp.sum(lat * lat, axis=1, keepdims=True)
         + jnp.sum(emb * emb, axis=1)[None, :]
         - 2.0 * jax.lax.dot_general(
             lat, emb, (((1,), (1,)), ((), ())),
             preferred_element_type=jnp.float32))
    idx = jnp.argmin(d, axis=1)
    enc = (jax.lax.broadcasted_iota(jnp.int32, (B, NUM_EMB), 1)
           == idx[:, None]).astype(jnp.float32)
    q = jax.lax.dot_general(enc, emb, (((1,), (0,)), ((), ())),
                            preferred_element_type=jnp.float32)
    q_ref[...] = q
    idx_ref[...] = idx.reshape(B, 1)
    diff = q - lat
    loss_ref[...] = (COMMIT * jnp.mean(diff * diff)).reshape(1, 1)
    avg = jnp.mean(enc, axis=0)
    perp_ref[...] = jnp.exp(-jnp.sum(avg * jnp.log(avg + 1e-10))).reshape(1, 1)


def _enc_vq(latent, p):
    loss, _q_tc, perp, idx = pl.pallas_call(
        _vq_kernel,
        out_shape=(
            jax.ShapeDtypeStruct((1, 1), jnp.float32),
            jax.ShapeDtypeStruct((B, LATENT_DIM), jnp.float32),
            jax.ShapeDtypeStruct((1, 1), jnp.float32),
            jax.ShapeDtypeStruct((B, 1), jnp.int32),
        ),
    )(latent, p["emb"])
    q = _sc_codebook_gather(p["emb"], idx.reshape(B))
    return loss[0, 0], q, perp[0, 0]


def _dec_kernel(q_ref, c_ref, d1w_ref, d1b_ref, d2w_ref, d2b_ref, d3w_ref,
                d3b_ref, d4w_ref, d4b_ref, d5w_ref, d5b_ref, d6w_ref,
                d6b_ref, out_ref):
    d = jax.nn.relu(_mm_t(q_ref[...], d1w_ref[...]) + d1b_ref[...])
    d = jax.nn.relu(_mm_t(d, d2w_ref[...]) + d2b_ref[...])
    c2 = jax.nn.relu(_mm_t(c_ref[...], d3w_ref[...]) + d3b_ref[...])
    dc = jnp.concatenate([d, c2], axis=1)
    d = jax.nn.relu(_mm_t(dc, d4w_ref[...]) + d4b_ref[...])
    d = jax.nn.relu(_mm_t(d, d5w_ref[...]) + d5b_ref[...])
    out_ref[...] = _mm_t(d, d6w_ref[...]) + d6b_ref[...]


def _decoder(q, c, p):
    return pl.pallas_call(
        _dec_kernel,
        out_shape=jax.ShapeDtypeStruct((B, SD_DIM), jnp.float32),
    )(q, c, p["d_fc1w"], p["d_fc1b"].reshape(1, -1), p["d_fc2w"],
      p["d_fc2b"].reshape(1, -1), p["d_fc3w"], p["d_fc3b"].reshape(1, -1),
      p["d_fc4w"], p["d_fc4b"].reshape(1, -1), p["d_fc5w"],
      p["d_fc5b"].reshape(1, -1), p["d_fc6w"], p["d_fc6b"].reshape(1, -1))


def _condition_encoder(pose, img, img_crop, img_zoom, p):
    pf = jax.nn.relu(pose @ p["ce_fc1w"].T + p["ce_fc1b"])
    f = jnp.concatenate([_alexnet_features(img, p),
                         _alexnet_features(img_crop, p),
                         _alexnet_features(img_zoom, p)], axis=0)
    f = jax.nn.relu(f @ p["fc6w"].T + p["fc6b"])
    f = jax.nn.relu(f @ p["fc7w"].T + p["fc7b"])
    f1, f2, f3 = jnp.split(f, 3, axis=0)
    h = jnp.concatenate([pf, f1, f2, f3], axis=1)
    return jax.nn.relu(h @ p["ce_fc2w"].T + p["ce_fc2b"])


def kernel(x, pose, img, img_crop, img_zoom, params):
    p = params
    c = _condition_encoder(pose, img, img_crop, img_zoom, p)
    h = jax.nn.relu(x @ p["e_fc1w"].T + p["e_fc1b"])
    h = jax.nn.relu(h @ p["e_fc2w"].T + p["e_fc2b"])
    latent = jnp.concatenate([h, c], axis=1) @ p["e_flw"].T + p["e_flb"]
    loss, q, perp = _enc_vq(latent, p)
    x_recon = _decoder(q, c, p)
    return loss, x_recon, perp

# --- scband reference (transcript-rebuilt; emitter-appended) ---
"""Pipeline reference for scband-vq-vae-11845519802891 (READ-ONLY COPY).

The authoritative reference and input builder live on the scoring server;
editing this copy changes nothing except your own understanding.
"""

import jax, jax.numpy as jnp
import numpy as np

B = 16
POSE_DIM = 72
SD_DIM = 72
FC_DIM = 1024
LATENT_DIM = 256
NUM_EMB = 1024
COMMIT = 0.25


def conv2d(x, w, b, stride, pad):
    y = jax.lax.conv_general_dilated(x, w, (stride, stride), [(pad, pad), (pad, pad)], dimension_numbers=("NCHW", "OIHW", "NCHW"))
    return y + b[None, :, None, None]


def maxpool3x3s2(x):
    return jax.lax.reduce_window(x, -jnp.inf, jax.lax.max, (1, 1, 3, 3), (1, 1, 2, 2), "VALID")


def alexnet_fc7(x, p):
    # torchvision AlexNet features -> adaptive avgpool(6,6) (identity for 224 input) -> flatten -> classifier up to fc7 ReLU (dropout = identity in eval)
    x = jax.nn.relu(conv2d(x, p["c1w"], p["c1b"], 4, 2))
    x = maxpool3x3s2(x)
    x = jax.nn.relu(conv2d(x, p["c2w"], p["c2b"], 1, 2))
    x = maxpool3x3s2(x)
    x = jax.nn.relu(conv2d(x, p["c3w"], p["c3b"], 1, 1))
    x = jax.nn.relu(conv2d(x, p["c4w"], p["c4b"], 1, 1))
    x = jax.nn.relu(conv2d(x, p["c5w"], p["c5b"], 1, 1))
    x = maxpool3x3s2(x)
    x = x.reshape(x.shape[0], -1)
    x = jax.nn.relu(x @ p["fc6w"].T + p["fc6b"])
    x = jax.nn.relu(x @ p["fc7w"].T + p["fc7b"])
    return x


def condition_encoder(pose, img, img_crop, img_zoom, p):
    pf = jax.nn.relu(pose @ p["ce_fc1w"].T + p["ce_fc1b"])
    f1 = alexnet_fc7(img, p)
    f2 = alexnet_fc7(img_crop, p)
    f3 = alexnet_fc7(img_zoom, p)
    h = jnp.concatenate([pf, f1, f2, f3], axis=1)
    return jax.nn.relu(h @ p["ce_fc2w"].T + p["ce_fc2b"])


def vq_ema(inputs, emb, commitment_cost):
    d = jnp.sum(inputs ** 2, axis=1, keepdims=True) + jnp.sum(emb ** 2, axis=1) - 2.0 * (inputs @ emb.T)
    idx = jnp.argmin(d, axis=1)
    enc = jax.nn.one_hot(idx, emb.shape[0], dtype=inputs.dtype)
    quantized = enc @ emb
    # EMA buffer updates do not affect this pass's outputs (quantized computed before update); omitted.
    e_latent_loss = jnp.mean((jax.lax.stop_gradient(quantized) - inputs) ** 2)
    loss = commitment_cost * e_latent_loss
    quantized = inputs + jax.lax.stop_gradient(quantized - inputs)
    avg = jnp.mean(enc, axis=0)
    perplexity = jnp.exp(-jnp.sum(avg * jnp.log(avg + 1e-10)))
    return loss, quantized, perplexity


def model_forward(x, pose, img, img_crop, img_zoom, p):
    # Encoder
    h = jax.nn.relu(x @ p["e_fc1w"].T + p["e_fc1b"])
    h = jax.nn.relu(h @ p["e_fc2w"].T + p["e_fc2b"])
    c = condition_encoder(pose, img, img_crop, img_zoom, p)
    latent = jnp.concatenate([h, c], axis=1) @ p["e_flw"].T + p["e_flb"]
    loss, q, perp = vq_ema(latent, p["emb"], COMMIT)
    # Decoder (calls the shared condition encoder a second time, as in torch)
    d = jax.nn.relu(q @ p["d_fc1w"].T + p["d_fc1b"])
    d = jax.nn.relu(d @ p["d_fc2w"].T + p["d_fc2b"])
    c2 = condition_encoder(pose, img, img_crop, img_zoom, p)
    c2 = jax.nn.relu(c2 @ p["d_fc3w"].T + p["d_fc3b"])
    d = jnp.concatenate([d, c2], axis=1)
    d = jax.nn.relu(d @ p["d_fc4w"].T + p["d_fc4b"])
    d = jax.nn.relu(d @ p["d_fc5w"].T + p["d_fc5b"])
    x_recon = d @ p["d_fc6w"].T + p["d_fc6b"]
    return loss, x_recon, perp


def setup_inputs(seed: int = 0) -> dict:
    key = jax.random.key(seed)
    ks = iter(jax.random.split(key, 64))
    p = {}

    def rn(shape, scale=0.02):
        return jax.random.normal(next(ks), shape, jnp.float32) * scale

    def lin(name, out_f, in_f):
        p[name + "w"] = rn((out_f, in_f))
        p[name + "b"] = jnp.zeros((out_f,), jnp.float32)

    # AlexNet backbone weights
    p["c1w"] = rn((64, 3, 11, 11)); p["c1b"] = jnp.zeros((64,), jnp.float32)
    p["c2w"] = rn((192, 64, 5, 5)); p["c2b"] = jnp.zeros((192,), jnp.float32)
    p["c3w"] = rn((384, 192, 3, 3)); p["c3b"] = jnp.zeros((384,), jnp.float32)
    p["c4w"] = rn((256, 384, 3, 3)); p["c4b"] = jnp.zeros((256,), jnp.float32)
    p["c5w"] = rn((256, 256, 3, 3)); p["c5b"] = jnp.zeros((256,), jnp.float32)
    lin("fc6", 4096, 9216)
    lin("fc7", 4096, 4096)
    # ConditionEncoder
    lin("ce_fc1", FC_DIM, POSE_DIM)
    lin("ce_fc2", FC_DIM, FC_DIM + 3 * 4096)
    # Encoder
    lin("e_fc1", FC_DIM, SD_DIM)
    lin("e_fc2", FC_DIM, FC_DIM)
    lin("e_fl", LATENT_DIM, 2 * FC_DIM)
    # Decoder
    lin("d_fc1", FC_DIM, LATENT_DIM)
    lin("d_fc2", FC_DIM, FC_DIM)
    lin("d_fc3", FC_DIM, FC_DIM)
    lin("d_fc4", FC_DIM, 2 * FC_DIM)
    lin("d_fc5", FC_DIM, FC_DIM)
    lin("d_fc6", SD_DIM, FC_DIM)
    # VQ codebook (normal_() init per torch)
    p["emb"] = jax.random.normal(next(ks), (NUM_EMB, LATENT_DIM), jnp.float32)

    x = jax.random.normal(next(ks), (B, SD_DIM), jnp.float32)
    pose = jax.random.normal(next(ks), (B, POSE_DIM), jnp.float32)
    img = jax.random.normal(next(ks), (B, 3, 224, 224), jnp.float32)
    img_crop = jax.random.normal(next(ks), (B, 3, 224, 224), jnp.float32)
    img_zoom = jax.random.normal(next(ks), (B, 3, 224, 224), jnp.float32)
    return {"x": x, "pose": pose, "img": img, "img_crop": img_crop, "img_zoom": img_zoom, "params": p}


def reference(x, pose, img, img_crop, img_zoom, params):
    return model_forward(x, pose, img, img_crop, img_zoom, params)

if __name__ == "__main__":
    import jax
    _d = setup_inputs()
    print(jax.jit(kernel)(*tuple(_d.values())))

</pallas_src>

<mosaic_0001>
#map = affine_map<(d0, d1) -> (0, 0)>
#map1 = affine_map<(d0, d1) -> (0)>
module attributes {stable_mosaic.version = 14 : i64} {
  func.func @_sc_gather_kernel(%arg0: i32, %arg1: i32, %arg2: memref<1024x256xf32, #tpu.memory_space<hbm>>, %arg3: memref<16xi32, #tpu.memory_space<hbm>>, %arg4: memref<16x256xf32, #tpu.memory_space<hbm>>, %arg5: memref<16xi32, #tpu.memory_space<vmem>>, %arg6: memref<16x256xf32, #tpu.memory_space<vmem>>, %arg7: memref<!tpu.dma_semaphore, #tpu.memory_space<semaphore_mem>>) attributes {dimension_semantics = [#tpu.dimension_semantics<core_parallel>, #tpu.dimension_semantics<subcore_parallel>], iteration_bounds = array<i64: 2, 16>, scalar_prefetch = 0 : i64, scratch_operands = 3 : i64, tpu.core_type = #tpu.core_type<sc_vector_subcore>, window_params = [{transform_indices = #map}, {transform_indices = #map1}, {transform_indices = #map}]} {
    %eq3A = arith.constant 0 : i32
    %eq3A_0 = arith.cmpi eq, %arg0, %eq3A : i32
    %eq3A_1 = arith.constant 0 : i32
    %eq3A_2 = arith.cmpi eq, %arg1, %eq3A_1 : i32
    %and3A = arith.andi %eq3A_0, %eq3A_2 : i1
    %convert_element_type3A = arith.extui %and3A : i1 to i32
    %cond3A = arith.constant 0 : i32
    %cond3A_3 = arith.cmpi ne, %convert_element_type3A, %cond3A : i32
    scf.if %cond3A_3 {
      "tpu.region"() ({
        %run_scoped3A = tpu.sem_alloc : memref<!tpu.dma_semaphore, #tpu.memory_space<semaphore_mem>>
        tpu.enqueue_dma source(%arg3 : memref<16xi32, #tpu.memory_space<hbm>>) target(%arg5 : memref<16xi32, #tpu.memory_space<vmem>>) target_semaphore(%run_scoped3A : memref<!tpu.dma_semaphore, #tpu.memory_space<semaphore_mem>>)
        tpu.wait_dma2 semaphore(%run_scoped3A : memref<!tpu.dma_semaphore, #tpu.memory_space<semaphore_mem>>) src(%arg3 : memref<16xi32, #tpu.memory_space<hbm>>) dst(%arg5 : memref<16xi32, #tpu.memory_space<vmem>>)
        tpu.yield
      }) : () -> ()
      %dma_start3A = arith.constant 0 : i32
      %dma_start3A_4 = arith.constant 0 : i32
      %dma_start3A_5 = tpu.memref_slice %arg2[%dma_start3A, %dma_start3A_4] : memref<1024x256xf32, #tpu.memory_space<hbm>> -> memref<1024x256xf32, #tpu.memory_space<hbm>>
      tpu.enqueue_indirect_dma source(%dma_start3A_5 : memref<1024x256xf32, #tpu.memory_space<hbm>>) target(%arg6 : memref<16x256xf32, #tpu.memory_space<vmem>>) offsets(%arg5 : memref<16xi32, #tpu.memory_space<vmem>>) semaphore(%arg7 : memref<!tpu.dma_semaphore, #tpu.memory_space<semaphore_mem>>)
      %dma_wait3A = arith.constant 0 : i32
      %dma_wait3A_6 = arith.constant 0 : i32
      %dma_wait3A_7 = tpu.memref_slice %arg2[%dma_wait3A, %dma_wait3A_6] : memref<1024x256xf32, #tpu.memory_space<hbm>> -> memref<1024x256xf32, #tpu.memory_space<hbm>>
      tpu.wait_indirect_dma semaphore(%arg7 : memref<!tpu.dma_semaphore, #tpu.memory_space<semaphore_mem>>) src(%dma_wait3A_7 : memref<1024x256xf32, #tpu.memory_space<hbm>>) dst(%arg6 : memref<16x256xf32, #tpu.memory_space<vmem>>)
      "tpu.region"() ({
        %run_scoped3A = tpu.sem_alloc : memref<!tpu.dma_semaphore, #tpu.memory_space<semaphore_mem>>
        tpu.enqueue_dma source(%arg6 : memref<16x256xf32, #tpu.memory_space<vmem>>) target(%arg4 : memref<16x256xf32, #tpu.memory_space<hbm>>) target_semaphore(%run_scoped3A : memref<!tpu.dma_semaphore, #tpu.memory_space<semaphore_mem>>)
        tpu.wait_dma2 semaphore(%run_scoped3A : memref<!tpu.dma_semaphore, #tpu.memory_space<semaphore_mem>>) src(%arg6 : memref<16x256xf32, #tpu.memory_space<vmem>>) dst(%arg4 : memref<16x256xf32, #tpu.memory_space<hbm>>)
        tpu.yield
      }) : () -> ()
    } else {
    }
    return
  }
}

module attributes {stable_mosaic.version = 14 : i64} {
  func.func @_vq_kernel(%arg0: memref<16x256xf32, #tpu.memory_space<vmem>>, %arg1: memref<1024x256xf32, #tpu.memory_space<vmem>>, %arg2: memref<1x1xf32, #tpu.memory_space<vmem>>, %arg3: memref<16x256xf32, #tpu.memory_space<vmem>>, %arg4: memref<1x1xf32, #tpu.memory_space<vmem>>, %arg5: memref<16x1xi32, #tpu.memory_space<vmem>>) attributes {dimension_semantics = [], scalar_prefetch = 0 : i64, scratch_operands = 0 : i64, tpu.core_type = #tpu.core_type<tc>} {
    %get3A = arith.constant 0 : index
    %get3A_0 = arith.constant 0 : index
    %get3A_1 = vector.load %arg0[%get3A, %get3A_0] : memref<16x256xf32, #tpu.memory_space<vmem>>, vector<16x256xf32>
    %get3A_2 = arith.constant 0 : index
    %get3A_3 = arith.constant 0 : index
    %get3A_4 = vector.load %arg1[%get3A_2, %get3A_3] : memref<1024x256xf32, #tpu.memory_space<vmem>>, vector<1024x256xf32>
    %mul3A = arith.mulf %get3A_1, %get3A_1 : vector<16x256xf32>
    %reduce_sum3A = arith.constant dense<0.000000e+00> : vector<16xf32>
    %reduce_sum3A_5 = vector.multi_reduction <add>, %mul3A, %reduce_sum3A [1] : vector<16x256xf32> to vector<16xf32>
    %broadcast_in_dim3A = vector.shape_cast %reduce_sum3A_5 : vector<16xf32> to vector<16x1xf32>
    %mul3A_6 = arith.mulf %get3A_4, %get3A_4 : vector<1024x256xf32>
    %reduce_sum3A_7 = arith.constant dense<0.000000e+00> : vector<1024xf32>
    %reduce_sum3A_8 = vector.multi_reduction <add>, %mul3A_6, %reduce_sum3A_7 [1] : vector<1024x256xf32> to vector<1024xf32>
    %broadcast_in_dim3A_9 = vector.shape_cast %reduce_sum3A_8 : vector<1024xf32> to vector<1x1024xf32>
    %add3A = vector.broadcast %broadcast_in_dim3A : vector<16x1xf32> to vector<16x1024xf32>
    %add3A_10 = vector.broadcast %broadcast_in_dim3A_9 : vector<1x1024xf32> to vector<16x1024xf32>
    %add3A_11 = arith.addf %add3A, %add3A_10 : vector<16x1024xf32>
    %dot_general3A = arith.constant dense<0.000000e+00> : vector<16x1024xf32>
    %dot_general3A_12 = tpu.matmul %get3A_1, %get3A_4, %dot_general3A {dimension_numbers = #tpu.dot_dimension_numbers<[1], [1], [0], [0], [0, 0, 1, 0], [], []>, transpose_lhs_hint = false} : vector<16x256xf32>, vector<1024x256xf32>, vector<16x1024xf32> -> vector<16x1024xf32>
    %mul3A_13 = arith.constant 2.000000e+00 : f32
    %mul3A_14 = vector.broadcast %mul3A_13 : f32 to vector<16x1024xf32>
    %mul3A_15 = arith.mulf %mul3A_14, %dot_general3A_12 : vector<16x1024xf32>
    %sub3A = arith.subf %add3A_11, %mul3A_15 : vector<16x1024xf32>
    %argmin3A = tpu.reduce_index %sub3A {axis = 1 : i32, kind = #tpu.reduction_kind<arg_min>} : vector<16x1024xf32> -> vector<16xi32>
    %iota3A = tpu.iota {dimensions = array<i32: 1>} : vector<16x1024xi32>
    %broadcast_in_dim3A_16 = vector.shape_cast %argmin3A : vector<16xi32> to vector<16x1xi32>
    %eq3A = vector.broadcast %broadcast_in_dim3A_16 : vector<16x1xi32> to vector<16x1024xi32>
    %eq3A_17 = arith.cmpi eq, %iota3A, %eq3A : vector<16x1024xi32>
    %convert_element_type3A = arith.extui %eq3A_17 : vector<16x1024xi1> to vector<16x1024xi32>
    %convert_element_type3A_18 = arith.sitofp %convert_element_type3A : vector<16x1024xi32> to vector<16x1024xf32>
    %dot_general3A_19 = arith.constant dense<0.000000e+00> : vector<16x256xf32>
    %dot_general3A_20 = tpu.matmul %convert_element_type3A_18, %get3A_4, %dot_general3A_19 {dimension_numbers = #tpu.dot_dimension_numbers<[1], [0], [0], [1], [0, 0, 1, 1], [], []>, transpose_lhs_hint = false} : vector<16x1024xf32>, vector<1024x256xf32>, vector<16x256xf32> -> vector<16x256xf32>
    %swap3A = arith.constant 0 : index
    %swap3A_21 = arith.constant 0 : index
    %swap3A_22 = vector.load %arg3[%swap3A, %swap3A_21] : memref<16x256xf32, #tpu.memory_space<vmem>>, vector<16x256xf32>
    tpu.vector_store %arg3[%swap3A, %swap3A_21], %dot_general3A_20 {strides = array<i32>} : memref<16x256xf32, #tpu.memory_space<vmem>>, vector<16x256xf32>,
    %reshape3A = vector.shape_cast %argmin3A : vector<16xi32> to vector<16x1xi32>
    %swap3A_23 = arith.constant 0 : index
    %swap3A_24 = arith.constant 0 : index
    %swap3A_25 = vector.load %arg5[%swap3A_23, %swap3A_24] : memref<16x1xi32, #tpu.memory_space<vmem>>, vector<16x1xi32>
    tpu.vector_store %arg5[%swap3A_23, %swap3A_24], %reshape3A {strides = array<i32>} : memref<16x1xi32, #tpu.memory_space<vmem>>, vector<16x1xi32>,
    %sub3A_26 = arith.subf %dot_general3A_20, %get3A_1 : vector<16x256xf32>
    %mul3A_27 = arith.mulf %sub3A_26, %sub3A_26 : vector<16x256xf32>
    %reduce_sum3A_28 = vector.shape_cast %mul3A_27 : vector<16x256xf32> to vector<1x16x256xf32>
    %reduce_sum3A_29 = arith.constant dense<0.000000e+00> : vector<1xf32>
    %reduce_sum3A_30 = vector.multi_reduction <add>, %reduce_sum3A_28, %reduce_sum3A_29 [1, 2] : vector<1x16x256xf32> to vector<1xf32>
    %reduce_sum3A_31 = vector.shape_cast %reduce_sum3A_30 : vector<1xf32> to vector<1x1x1xf32>
    %reduce_sum3A_32 = vector.extract %reduce_sum3A_31[0, 0, 0] : f32 from vector<1x1x1xf32>
    %div3A = arith.constant 4.096000e+03 : f32
    %div3A_33 = arith.divf %reduce_sum3A_32, %div3A : f32
    %mul3A_34 = arith.constant 2.500000e-01 : f32
    %mul3A_35 = arith.mulf %mul3A_34, %div3A_33 : f32
    %reshape3A_36 = vector.broadcast %mul3A_35 : f32 to vector<1x1xf32>
    %swap3A_37 = arith.constant 0 : index
    %swap3A_38 = arith.constant 0 : index
    %swap3A_39 = vector.load %arg2[%swap3A_37, %swap3A_38] : memref<1x1xf32, #tpu.memory_space<vmem>>, vector<1x1xf32>
    tpu.vector_store %arg2[%swap3A_37, %swap3A_38], %reshape3A_36 {strides = array<i32>} : memref<1x1xf32, #tpu.memory_space<vmem>>, vector<1x1xf32>,
    %reduce_sum3A_40 = arith.constant dense<0.000000e+00> : vector<1024xf32>
    %reduce_sum3A_41 = vector.multi_reduction <add>, %convert_element_type3A_18, %reduce_sum3A_40 [0] : vector<16x1024xf32> to vector<1024xf32>
    %div3A_42 = arith.constant 1.600000e+01 : f32
    %div3A_43 = vector.broadcast %div3A_42 : f32 to vector<1024xf32>
    %div3A_44 = arith.divf %reduce_sum3A_41, %div3A_43 : vector<1024xf32>
    %add3A_45 = arith.constant 1.000000e-10 : f32
    %add3A_46 = vector.broadcast %add3A_45 : f32 to vector<1024xf32>
    %add3A_47 = arith.addf %div3A_44, %add3A_46 : vector<1024xf32>
    %log3A = math.log %add3A_47 : vector<1024xf32>
    %mul3A_48 = arith.mulf %div3A_44, %log3A : vector<1024xf32>
    %reduce_sum3A_49 = vector.shape_cast %mul3A_48 : vector<1024xf32> to vector<1x1024xf32>
    %reduce_sum3A_50 = arith.constant dense<0.000000e+00> : vector<1xf32>
    %reduce_sum3A_51 = vector.multi_reduction <add>, %reduce_sum3A_49, %reduce_sum3A_50 [1] : vector<1x1024xf32> to vector<1xf32>
    %reduce_sum3A_52 = vector.shape_cast %reduce_sum3A_51 : vector<1xf32> to vector<1x1xf32>
    %reduce_sum3A_53 = vector.extract %reduce_sum3A_52[0, 0] : f32 from vector<1x1xf32>
    %neg3A = arith.constant 0.000000e+00 : f32
    %neg3A_54 = arith.subf %neg3A, %reduce_sum3A_53 : f32
    %exp3A = math.exp %neg3A_54 : f32
    %reshape3A_55 = vector.broadcast %exp3A : f32 to vector<1x1xf32>
    %swap3A_56 = arith.constant 0 : index
    %swap3A_57 = arith.constant 0 : index
    %swap3A_58 = vector.load %arg4[%swap3A_56, %swap3A_57] : memref<1x1xf32, #tpu.memory_space<vmem>>, vector<1x1xf32>
    tpu.vector_store %arg4[%swap3A_56, %swap3A_57], %reshape3A_55 {strides = array<i32>} : memref<1x1xf32, #tpu.memory_space<vmem>>, vector<1x1xf32>,
    return
  }
}

module attributes {stable_mosaic.version = 14 : i64} {
  func.func @_dec_kernel(%arg0: memref<16x256xf32, #tpu.memory_space<vmem>>, %arg1: memref<16x1024xf32, #tpu.memory_space<vmem>>, %arg2: memref<1024x256xf32, #tpu.memory_space<vmem>>, %arg3: memref<1x1024xf32, #tpu.memory_space<vmem>>, %arg4: memref<1024x1024xf32, #tpu.memory_space<vmem>>, %arg5: memref<1x1024xf32, #tpu.memory_space<vmem>>, %arg6: memref<1024x1024xf32, #tpu.memory_space<vmem>>, %arg7: memref<1x1024xf32, #tpu.memory_space<vmem>>, %arg8: memref<1024x2048xf32, #tpu.memory_space<vmem>>, %arg9: memref<1x1024xf32, #tpu.memory_space<vmem>>, %arg10: memref<1024x1024xf32, #tpu.memory_space<vmem>>, %arg11: memref<1x1024xf32, #tpu.memory_space<vmem>>, %arg12: memref<72x1024xf32, #tpu.memory_space<vmem>>, %arg13: memref<1x72xf32, #tpu.memory_space<vmem>>, %arg14: memref<16x72xf32, #tpu.memory_space<vmem>>) attributes {dimension_semantics = [], scalar_prefetch = 0 : i64, scratch_operands = 0 : i64, tpu.core_type = #tpu.core_type<tc>} {
    %get3A = arith.constant 0 : index
    %get3A_0 = arith.constant 0 : index
    %get3A_1 = vector.load %arg0[%get3A, %get3A_0] : memref<16x256xf32, #tpu.memory_space<vmem>>, vector<16x256xf32>
    %get3A_2 = arith.constant 0 : index
    %get3A_3 = arith.constant 0 : index
    %get3A_4 = vector.load %arg2[%get3A_2, %get3A_3] : memref<1024x256xf32, #tpu.memory_space<vmem>>, vector<1024x256xf32>
    %dot_general3A = arith.constant dense<0.000000e+00> : vector<16x1024xf32>
    %dot_general3A_5 = tpu.matmul %get3A_1, %get3A_4, %dot_general3A {dimension_numbers = #tpu.dot_dimension_numbers<[1], [1], [0], [0], [0, 0, 1, 0], [], []>, transpose_lhs_hint = false} : vector<16x256xf32>, vector<1024x256xf32>, vector<16x1024xf32> -> vector<16x1024xf32>
    %get3A_6 = arith.constant 0 : index
    %get3A_7 = arith.constant 0 : index
    %get3A_8 = vector.load %arg3[%get3A_6, %get3A_7] : memref<1x1024xf32, #tpu.memory_space<vmem>>, vector<1x1024xf32>
    %add3A = vector.broadcast %get3A_8 : vector<1x1024xf32> to vector<16x1024xf32>
    %add3A_9 = arith.addf %dot_general3A_5, %add3A : vector<16x1024xf32>
    %max3A = arith.constant 0.000000e+00 : f32
    %max3A_10 = vector.broadcast %max3A : f32 to vector<16x1024xf32>
    %max3A_11 = arith.maximumf %add3A_9, %max3A_10 : vector<16x1024xf32>
    %get3A_12 = arith.constant 0 : index
    %get3A_13 = arith.constant 0 : index
    %get3A_14 = vector.load %arg4[%get3A_12, %get3A_13] : memref<1024x1024xf32, #tpu.memory_space<vmem>>, vector<1024x1024xf32>
    %dot_general3A_15 = arith.constant dense<0.000000e+00> : vector<16x1024xf32>
    %dot_general3A_16 = tpu.matmul %max3A_11, %get3A_14, %dot_general3A_15 {dimension_numbers = #tpu.dot_dimension_numbers<[1], [1], [0], [0], [0, 0, 1, 0], [], []>, transpose_lhs_hint = false} : vector<16x1024xf32>, vector<1024x1024xf32>, vector<16x1024xf32> -> vector<16x1024xf32>
    %get3A_17 = arith.constant 0 : index
    %get3A_18 = arith.constant 0 : index
    %get3A_19 = vector.load %arg5[%get3A_17, %get3A_18] : memref<1x1024xf32, #tpu.memory_space<vmem>>, vector<1x1024xf32>
    %add3A_20 = vector.broadcast %get3A_19 : vector<1x1024xf32> to vector<16x1024xf32>
    %add3A_21 = arith.addf %dot_general3A_16, %add3A_20 : vector<16x1024xf32>
    %max3A_22 = arith.constant 0.000000e+00 : f32
    %max3A_23 = vector.broadcast %max3A_22 : f32 to vector<16x1024xf32>
    %max3A_24 = arith.maximumf %add3A_21, %max3A_23 : vector<16x1024xf32>
    %get3A_25 = arith.constant 0 : index
    %get3A_26 = arith.constant 0 : index
    %get3A_27 = vector.load %arg1[%get3A_25, %get3A_26] : memref<16x1024xf32, #tpu.memory_space<vmem>>, vector<16x1024xf32>
    %get3A_28 = arith.constant 0 : index
    %get3A_29 = arith.constant 0 : index
    %get3A_30 = vector.load %arg6[%get3A_28, %get3A_29] : memref<1024x1024xf32, #tpu.memory_space<vmem>>, vector<1024x1024xf32>
    %dot_general3A_31 = arith.constant dense<0.000000e+00> : vector<16x1024xf32>
    %dot_general3A_32 = tpu.matmul %get3A_27, %get3A_30, %dot_general3A_31 {dimension_numbers = #tpu.dot_dimension_numbers<[1], [1], [0], [0], [0, 0, 1, 0], [], []>, transpose_lhs_hint = false} : vector<16x1024xf32>, vector<1024x1024xf32>, vector<16x1024xf32> -> vector<16x1024xf32>
    %get3A_33 = arith.constant 0 : index
    %get3A_34 = arith.constant 0 : index
    %get3A_35 = vector.load %arg7[%get3A_33, %get3A_34] : memref<1x1024xf32, #tpu.memory_space<vmem>>, vector<1x1024xf32>
    %add3A_36 = vector.broadcast %get3A_35 : vector<1x1024xf32> to vector<16x1024xf32>
    %add3A_37 = arith.addf %dot_general3A_32, %add3A_36 : vector<16x1024xf32>
    %max3A_38 = arith.constant 0.000000e+00 : f32
    %max3A_39 = vector.broadcast %max3A_38 : f32 to vector<16x1024xf32>
    %max3A_40 = arith.maximumf %add3A_37, %max3A_39 : vector<16x1024xf32>
    %concatenate3A = tpu.concatenate %max3A_24, %max3A_40 in 1 : vector<16x1024xf32>, vector<16x1024xf32> -> vector<16x2048xf32>
    %get3A_41 = arith.constant 0 : index
    %get3A_42 = arith.constant 0 : index
    %get3A_43 = vector.load %arg8[%get3A_41, %get3A_42] : memref<1024x2048xf32, #tpu.memory_space<vmem>>, vector<1024x2048xf32>
    %dot_general3A_44 = arith.constant dense<0.000000e+00> : vector<16x1024xf32>
    %dot_general3A_45 = tpu.matmul %concatenate3A, %get3A_43, %dot_general3A_44 {dimension_numbers = #tpu.dot_dimension_numbers<[1], [1], [0], [0], [0, 0, 1, 0], [], []>, transpose_lhs_hint = false} : vector<16x2048xf32>, vector<1024x2048xf32>, vector<16x1024xf32> -> vector<16x1024xf32>
    %get3A_46 = arith.constant 0 : index
    %get3A_47 = arith.constant 0 : index
    %get3A_48 = vector.load %arg9[%get3A_46, %get3A_47] : memref<1x1024xf32, #tpu.memory_space<vmem>>, vector<1x1024xf32>
    %add3A_49 = vector.broadcast %get3A_48 : vector<1x1024xf32> to vector<16x1024xf32>
    %add3A_50 = arith.addf %dot_general3A_45, %add3A_49 : vector<16x1024xf32>
    %max3A_51 = arith.constant 0.000000e+00 : f32
    %max3A_52 = vector.broadcast %max3A_51 : f32 to vector<16x1024xf32>
    %max3A_53 = arith.maximumf %add3A_50, %max3A_52 : vector<16x1024xf32>
    %get3A_54 = arith.constant 0 : index
    %get3A_55 = arith.constant 0 : index
    %get3A_56 = vector.load %arg10[%get3A_54, %get3A_55] : memref<1024x1024xf32, #tpu.memory_space<vmem>>, vector<1024x1024xf32>
    %dot_general3A_57 = arith.constant dense<0.000000e+00> : vector<16x1024xf32>
    %dot_general3A_58 = tpu.matmul %max3A_53, %get3A_56, %dot_general3A_57 {dimension_numbers = #tpu.dot_dimension_numbers<[1], [1], [0], [0], [0, 0, 1, 0], [], []>, transpose_lhs_hint = false} : vector<16x1024xf32>, vector<1024x1024xf32>, vector<16x1024xf32> -> vector<16x1024xf32>
    %get3A_59 = arith.constant 0 : index
    %get3A_60 = arith.constant 0 : index
    %get3A_61 = vector.load %arg11[%get3A_59, %get3A_60] : memref<1x1024xf32, #tpu.memory_space<vmem>>, vector<1x1024xf32>
    %add3A_62 = vector.broadcast %get3A_61 : vector<1x1024xf32> to vector<16x1024xf32>
    %add3A_63 = arith.addf %dot_general3A_58, %add3A_62 : vector<16x1024xf32>
    %max3A_64 = arith.constant 0.000000e+00 : f32
    %max3A_65 = vector.broadcast %max3A_64 : f32 to vector<16x1024xf32>
    %max3A_66 = arith.maximumf %add3A_63, %max3A_65 : vector<16x1024xf32>
    %get3A_67 = arith.constant 0 : index
    %get3A_68 = arith.constant 0 : index
    %get3A_69 = vector.load %arg12[%get3A_67, %get3A_68] : memref<72x1024xf32, #tpu.memory_space<vmem>>, vector<72x1024xf32>
    %dot_general3A_70 = arith.constant dense<0.000000e+00> : vector<16x72xf32>
    %dot_general3A_71 = tpu.matmul %max3A_66, %get3A_69, %dot_general3A_70 {dimension_numbers = #tpu.dot_dimension_numbers<[1], [1], [0], [0], [0, 0, 1, 0], [], []>, transpose_lhs_hint = false} : vector<16x1024xf32>, vector<72x1024xf32>, vector<16x72xf32> -> vector<16x72xf32>
    %get3A_72 = arith.constant 0 : index
    %get3A_73 = arith.constant 0 : index
    %get3A_74 = vector.load %arg13[%get3A_72, %get3A_73] : memref<1x72xf32, #tpu.memory_space<vmem>>, vector<1x72xf32>
    %add3A_75 = vector.broadcast %get3A_74 : vector<1x72xf32> to vector<16x72xf32>
    %add3A_76 = arith.addf %dot_general3A_71, %add3A_75 : vector<16x72xf32>
    %swap3A = arith.constant 0 : index
    %swap3A_77 = arith.constant 0 : index
    %swap3A_78 = vector.load %arg14[%swap3A, %swap3A_77] : memref<16x72xf32, #tpu.memory_space<vmem>>, vector<16x72xf32>
    tpu.vector_store %arg14[%swap3A, %swap3A_77], %add3A_76 {strides = array<i32>} : memref<16x72xf32, #tpu.memory_space<vmem>>, vector<16x72xf32>,
    return
  }
}

</mosaic_0001>

<sc_bundles>
// kernel: kernel.5.cloned.1.call-start
scs
__scs_entry_jumppad:
0x0: {  	(pc) =	sbr.rel $0x88, $3  }
0x1: {  	(tag) =	ssettag $0x0;
	lr =	simm.s32 $0x1  }
0x2: {  	[smem:$0x3F77] =	sst lr;
	_ =	strace $0xD0000000  }
0x3: {  	_ = 	snop  }
0x4: {  	_ = 	snop  }
0x5: {  	_ = 	snop  }
0x6: {  	_ = 	snop  }
0x7: {  	_ = 	snop  }
__scs_overlays_trampoline_lowered:
0x8: {  	[smem:$0x3F86] =	sst s0  }
0x9: {  	[smem:$0x3F87] =	sst s1  }
0xa: {  	[smem:$0x3F88] =	sst s2  }
0xb: {  	[smem:$0x3F89] =	sst s3  }
0xc: {  	[smem:$0x3F8A] =	sst s4  }
0xd: {  	[smem:$0x3F8B] =	sst s5  }
0xe: {  	[smem:$0x3F8C] =	sst s6  }
0xf: {  	[smem:$0x3F8D] =	sst s7  }
0x10: {  	[smem:$0x3F8E] =	sst s8  }
0x11: {  	[smem:$0x3F8F] =	sst s9;
	s0 =	simm.s32 @!p0 $0x0  }
0x12: {  	s1 =	sld [smem:$0x3F75];
	s0 =	simm.s32 @p0 $0x1  }
0x13: {  	[smem:$0x3F90] =	sst s0;
	s0 =	simm.s32 @!p1 $0x0  }
0x14: {  	s2 =	sld [smem:$0x3F74];
	s0 =	simm.s32 @p1 $0x1  }
0x15: {  	[smem:$0x3F91] =	sst s0;
	s0 =	simm.s32 @!p2 $0x0  }
0x16: {  	s3 =	sld [smem:$0x3FDB];
	s0 =	simm.s32 @p2 $0x1  }
0x17: {  	s4 =	simm.s32 $0x1BF5;
	[smem:$0x3F93] =	sst s0  }
0x18: {  	s0 =	sld [smem:$0x3F76];
	_ =	swait.ge [sflag:s4], $0x0  }
0x19: {  	s7 =	sld [smem:$0x3F77]  }
0x1a: {  	s8 =	sadd.s32 $0xFFFFE003, lr  }
0x1b: {  	s9 =	sadd.s32 $0xFFFFFEF7, lr;
	s5 =	simm.s32 $0xFFFFFFFF;
	p2 =	slt.u32 s8, $0xFFFFF086  }
0x1c: {  	p1 =	slt.u32 s9, $0xF7A;
	s5 =	simm.s32 @!p2 $0x0  }
0x1d: {  	s5 =	simm.s32 @p1 $0x1;
	p0 =	seq.s32 s7, s2  }
0x1e: {  	s7 =	smul.u32 @!p0 $0xF7A, s2;
	p2 =	seq.s32 @!p0 s5, $0x0  }
0x1f: {  	s9 =	smul.u32 $0xF7A, s1;
	s8 =	simm.s32 @!p0 $0x1BF5;
	p2 =	por !p2, p0  }
0x20: {  	[sflag:s8] =	ssyncset.s32 @!p0 $0xFFFFF086;
	s6 =	sadd.s32 @!p0 s3, s7;
	s7 =	simm.s32 @!p0 $0x108  }
0x21: {  	s3 =	sadd.s32 s3, s9;
	s6 =	sadd.s32 @!p0 $0x88, s6;
	s7 =	simm.s32 @p2 $0x1082  }
0x22: {  	[simem:s7], [sflag:s8] =	dma.local @!p0 [hbm:s6], $0xF7A  }
0x23: {  	s9 =	sor.u32 $0xD0000000, s2;
	s6 =	simm.s32 $0x108;
	_ =	swait.ge @!p0 [sflag:s8], $0x0  }
0x24: {  	s3 =	sadd.s32 $0x88, s3;
	s6 =	simm.s32 @!p1 $0x1082;
	[sflag:s4] =	ssyncset.s32 $0xFFFFF086  }
0x25: {  	[simem:s6], [sflag:s4] =	dma.local [hbm:s3], $0xF7A  }
0x26: {  	[smem:$0x3F77] =	sst s1;
	(tag) =	ssettag s2;
	_ =	strace s9  }
0x27: {  	s1 =	sld [smem:$0x3F87]  }
0x28: {  	s2 =	sld [smem:$0x3F88]  }
0x29: {  	s4 =	sld [smem:$0x3F8A]  }
0x2a: {  	p0 =	seq.s32 s5, $0x0;
	s5 =	sld [smem:$0x3F8B]  }
0x2b: {  	s6 =	sld [smem:$0x3F8C]  }
0x2c: {  	s7 =	sld [smem:$0x3F8D]  }
0x2d: {  	s3 =	simm.s32 $0x108;
	s8 =	sld [smem:$0x3F8E]  }
0x2e: {  	s3 =	simm.s32 @!p0 $0x1082;
	s9 =	sld [smem:$0x3F8F]  }
0x2f: {  	lr =	sadd.s32 s0, s3;
	s0 =	sld [smem:$0x3F86]  }
0x30: {  	s3 =	sld [smem:$0x3F89]  }
0x31: {  	[smem:$0x3F92] =	sst s10  }
0x32: {  	s10 =	sld [smem:$0x3F90];
	_ =	sdelay $0x3  }
0x33: {  	p0 =	seq.s32 s10, $0x1;
	s10 =	sld [smem:$0x3F92];
	_ =	sdelay $0x3  }
0x34: {  	[smem:$0x3F92] =	sst s10  }
0x35: {  	s10 =	sld [smem:$0x3F91];
	_ =	sdelay $0x3  }
0x36: {  	p1 =	seq.s32 s10, $0x1;
	s10 =	sld [smem:$0x3F92];
	_ =	sdelay $0x3  }
0x37: {  	[smem:$0x3F92] =	sst s10  }
0x38: {  	s10 =	sld [smem:$0x3F93]  }
0x39: {  	_ = 	snop;
	(pc) =	sbr.ind lr, $3  }
0x3a: {  	_ = 	snop  }
0x3b: {  	_ = 	snop  }
0x3c: {  	p2 =	seq.s32 s10, $0x1;
	s10 =	sld [smem:$0x3F92]  }
0x3d: {  	_ =	shalt  }
0x3e: {  	_ =	shalt  }
0x3f: {  	_ =	shalt  }
0x40: {  	_ =	shalt  }
0x41: {  	_ =	shalt  }
0x42: {  	_ =	shalt  }
0x43: {  	_ =	shalt  }
0x44: {  	_ =	shalt  }
0x45: {  	_ =	shalt  }
0x46: {  	_ =	shalt  }
0x47: {  	_ =	shalt  }
0x48: {  	_ =	shalt  }
0x49: {  	_ =	shalt  }
0x4a: {  	_ =	shalt  }
0x4b: {  	_ =	shalt  }
0x4c: {  	_ =	shalt  }
0x4d: {  	_ =	shalt  }
0x4e: {  	_ =	shalt  }
0x4f: {  	_ =	shalt  }
0x50: {  	_ =	shalt  }
0x51: {  	_ =	shalt  }
0x52: {  	_ =	shalt  }
0x53: {  	_ =	shalt  }
0x54: {  	_ =	shalt  }
0x55: {  	_ =	shalt  }
0x56: {  	_ =	shalt  }
0x57: {  	_ =	shalt  }
0x58: {  	_ =	shalt  }
0x59: {  	_ =	shalt  }
0x5a: {  	_ =	shalt  }
0x5b: {  	_ =	shalt  }
0x5c: {  	_ =	shalt  }
0x5d: {  	_ =	shalt  }
0x5e: {  	_ =	shalt  }
0x5f: {  	_ =	shalt  }
0x60: {  	_ =	shalt  }
0x61: {  	_ =	shalt  }
0x62: {  	_ =	shalt  }
0x63: {  	_ =	shalt  }
0x64: {  	_ =	shalt  }
0x65: {  	_ =	shalt  }
0x66: {  	_ =	shalt  }
0x67: {  	_ =	shalt  }
0x68: {  	_ =	shalt  }
0x69: {  	_ =	shalt  }
0x6a: {  	_ =	shalt  }
0x6b: {  	_ =	shalt  }
0x6c: {  	_ =	shalt  }
0x6d: {  	_ =	shalt  }
0x6e: {  	_ =	shalt  }
0x6f: {  	_ =	shalt  }
0x70: {  	_ =	shalt  }
0x71: {  	_ =	shalt  }
0x72: {  	_ =	shalt  }
0x73: {  	_ =	shalt  }
0x74: {  	_ =	shalt  }
0x75: {  	_ =	shalt  }
0x76: {  	_ =	shalt  }
0x77: {  	_ =	shalt  }
0x78: {  	_ =	shalt  }
0x79: {  	_ =	shalt  }
0x7a: {  	_ =	shalt  }
0x7b: {  	_ =	shalt  }
0x7c: {  	_ =	shalt  }
0x7d: {  	_ =	shalt  }
0x7e: {  	_ =	shalt  }
0x7f: {  	_ =	shalt  }
0x80: {  	_ =	shalt  }
0x81: {  	_ =	shalt  }
0x82: {  	_ =	shalt  }
0x83: {  	_ =	shalt  }
0x84: {  	_ =	shalt  }
0x85: {  	_ =	shalt  }
0x86: {  	_ =	shalt  }
0x87: {  	_ =	shalt  }
.Lfunc_end0:
.L_simem_size_0:
called_computation_lowered:
.L_overlay_start_0:
0x88: {  	s2 =	sld [smem:$0x3FD9]  }
0x89: {  	s3 =	sld [smem:$0x3FFE];
	_ =	sdelay $0x1  }
0x8a: {  	s1 =	srdreg.scid  }
0x8b: {  	s0 =	sand.u32 $0x1, s1  }
0x8c: {  	s14 =	sshll.u32 s0, $0xA;
	s2 =	sadd.s32 s3, s2  }
0x8d: {  	s2 =	sadd.s32 s2, s14  }
0x8e: {  	[smem:$0x3F9E] =	sst s2  }
0x8f: {  	_ = 	snop  }
0x90: {  	s2 =	sld [smem:$0x3FD0];
	_ =	sdelay $0x2  }
0x91: {  	s4 =	simm.s32 $0xA;
	s5 =	simm.s32 $0x10;
	s15 =	sld [smem:$0x3FA4]  }
0x92: {  	[smem:s5], [sflag:s4] =	dma.local [hbm:s2], $0x1  }
0x93: {  	_ =	swait.eq [sflag:s4], $0x1  }
0x94: {  	[sflag:s4] =	ssyncset.done $0x0  }
0x95: {  	[sflag:s4] =	ssyncadd.s32 $0xFFFFFFFF  }
0x96: {  	s16 =	sld [smem:$0x11];
	(tm) =	ssettm $0x1  }
0x97: {  	s17 =	sld [smem:$0x3FFB];
	_ =	sdelay $0x3  }
0x98: {  	_ =	strace s17  }
0x99: {  	s4 =	sld [smem:$0x3FFC];
	_ =	sdelay $0x3  }
0x9a: {  	_ =	strace s4  }
0x9b: {  	s4 =	sld [smem:$0x3FFD];
	_ =	sdelay $0x3  }
0x9c: {  	_ =	strace s4  }
0x9d: {  	_ =	strace $0x8FFFFFFF  }
0x9e: {  	s18 =	sld [smem:$0x3FDB];
	_ =	sdelay $0x1  }
0x9f: {  	s19 =	simm.s32 $_scs_section_size  }
0xa0: {  	s6 =	simm.s32 $_size__tile_overlayer_lowered;
	s7 =	simm.s32 $_tile_overlayer_lowered  }
0xa1: {  	s22 =	simm.s32 $0x1BFF;
	s21 =	sshll.u32 s7, $0x1;
	s4 =	sadd.s32 s19, s18  }
0xa2: {  	s8 =	simm.s32 $0x0;
	s20 =	sshll.u32 s6, $0x1;
	s6 =	sadd.s32 s21, s4  }
0xa3: {  	[timem:s8], [sflag:s22] =	dma.local [hbm:s6], s20  }
0xa4: {  	_ =	swait.ge [sflag:s22], s20  }
0xa5: {  	s5 =	ssub.s32 $0x0, s20;
	[sflag:s22] =	ssyncset.done $0x0  }
0xa6: {  	[sflag:s22] =	ssyncadd.s32 s5;
	_ =	sdelay $0x1  }
0xa7: {  	s23 =	simm.s32 $0x1B8B  }
0xa8: {  	_ =	swait.ge [sflag:s23], $0x1  }
0xa9: {  	[sflag:s23] =	ssyncset.done $0x0  }
0xaa: {  	s25 =	simm.s32 $0x1B8E;
	s24 =	sld [smem:$0x3FFE];
	[sflag:s23] =	ssyncadd.s32 $0xFFFFFFFF  }
0xab: {  	s26 =	simm.s32 $execute0_lowered;
	[smem:$0x3FD2] =	sst s25  }
0xac: {  	s6 =	sshll.u32 s26, $0x1;
	_ =	strace $0x80000046;
	[dreg:$0x1] =	wrdreg $0xFFFFFFFF  }
0xad: {  	s28 =	simm.s32 $_size_execute0_lowered;
	s4 =	sadd.s32 s4, s6;
	[dreg:$0x0] =	wrdreg $0x0  }
0xae: {  	s6 =	sshll.u32 s28, $0x1;
	[dreg:$0x2] =	wrdreg s4  }
0xaf: {  	[dreg:$0x3] =	wrdreg s6  }
0xb0: {  	[dreg:$0x4] =	wrdreg $0xC0  }
0xb1: {  	_ =	task [dreg:s8], $0x5FFFF  }
0xb2: {  	[dreg:$0x1] =	wrdreg $0xFFFFFFFF  }
0xb3: {  	[dreg:$0x0] =	wrdreg $0x60  }
0xb4: {  	[dreg:$0x2] =	wrdreg s15  }
0xb5: {  	[dreg:$0x3] =	wrdreg s16  }
0xb6: {  	[dreg:$0x4] =	wrdreg s24  }
0xb7: {  	[dreg:$0x5] =	wrdreg $0x9  }
0xb8: {  	_ =	task.clear_ibuf [dreg:s8], $0x6FFFF;
	_ =	strace $0x90000046  }
0xb9: {  	s29 =	simm.s32 $0x9;
	_ =	strace $0x80000048  }
0xba: {  	_ =	swait.ge [sflag:s29], $0x1  }
0xbb: {  	[sflag:s29] =	ssyncadd.s32 $0xFFFFFFFF  }
0xbc: {  	_ =	strace $0x90000048  }
0xbd: {  	_ =	sfence  }
0xbe: {  	s30 =	sld [smem:$0x0];
	_ =	sdelay $0x2  }
0xbf: {  	s31 =	sshll.u32 s1, $0xD;
	s1 =	sshrl.u32 s1, $0x2  }
0xc0: {  	s3 =	sand.u32 $0x4000, s31;
	s1 =	sadd.s32 s1, s30  }
0xc1: {  	s0 =	sor.u32 s3, s0;
	s1 =	sshll.u32 s1, $0x11  }
0xc2: {  	s0 =	sor.u32 s1, s0  }
0xc3: {  	s0 =	sadd.s32 $0x8F2B, s0  }
0xc4: {  	[sflag:s0] =	ssyncadd.remote.s32 $0x1  }
0xc5: {  	_ =	sfence.sel $0xFFFF  }
0xc6: {  	[dreg:$0x0] =	wrdreg $0xFFFFFFFF;
	(pc) =	sbr.abs _section_cstart, $3  }
0xc7: {  	[dreg:$0x1] =	wrdreg $0xFFFFFFFF  }
0xc8: {  	_ =	task.clear_ibuf [dreg:s8], $0x2FFFF;
	_ =	strace $0x9FFFFFFF  }
0xc9: {  	(tm) =	ssettm $0x7FFFFFFF  }
tec
execute0_lowered:
.L_overlay_start_1:
0x0: {  	(tag) =	ssettag $0x1  }
0x1: {  	s0 =	srdreg.scid  }
0x2: {  	s10 =	sand.u32 $0x1, s0;
	s0 =	stileid.u32  }
0x3: {  	s4 =	sor.u32 s0, s10  }
0x4: {  	p0 =	sne.s32 s4, $0x0  }
.Ltmp0:
0x5: {  	_ = 	snop;
	(pc) =	sbr.rel @p0 .LBB2_4-.Ltmp0, $4  }
0x6: {  	s2 =	rddreg [dreg:$0x0]  }
0x7: {  	s3 =	rddreg [dreg:$0x1]  }
0x8: {  	s9 =	rddreg [dreg:$0x2]  }
0x9: {  	s1 =	rddreg [dreg:$0x3];
	_ =	strace $0x80000047  }
0xa: {  	s5 =	simm.s32 $0x0;
	s4 =	simm.s32 $0x2  }
0xb: {  	[tilespmem:s5], [sflag:$0x2] =	stream.linear.gather [hbm4b:s3+s5], $0x80, $0x38;
	[tilespmem:$0x1080] =	vst v63  }
0xc: {  	_ =	swait.ge [sflag:s4], $0x80  }
0xd: {  	[sflag:s4] =	ssyncset.done $0x0  }
0xe: {  	[sflag:s4] =	ssyncadd.s32 $0xFFFFFF80  }
0xf: {  	v0 =	vld [tilespmem:$0x0];
	_ =	sdelay $0x4  }
0x10: {  	v1 =	vshll.u32 v0, $0x1  }
0x11: {  	v2 =	vlaneseq.u32;
	v3 =	vand.u32 $0x7, v0;
	v1 =	vand.u32 $0xFFFFFFF0, v1  }
0x12: {  	v4 =	vshrl.u32 v2, $0x3;
	v0 =	vand.u32 $0x7, v2;
	v3 =	vor.u32 v3, v1  }
0x13: {  	v1 =	vmul.u32 $0x8, v4;
	v63 =	vperm.xlane v3, v0  }
0x14: {  	v2 =	vor.u32 $0x8, v2  }
0x15: {  	v3 =	vperm.xlane v3, v2;
	v4 =	vadd.s32 v1, v63;
	_ =	sdelay $0x1  }
0x16: {  	v3 =	vadd.s32 v1, v3  }
0x17: {  	s10 =	ssub.s32 $0x2, s10  }
0x18: {  	vm0 =	vmmov $0xffff;
	s6 =	simm.s32 $0x80;
	s11 =	sshrl.u32 s10, $0x1  }
0x19: {  	[tilespmem:s6], [sflag:$0x1] =	stream.indirect_vreg.gather [hbm4b:s2+s5], $0x80, v4, vm0, $0xb8;
	[tilespmem:$0x1080] =	vst v63  }
0x1a: {  	s7 =	simm.s32 $0x880;
	s8 =	simm.s32 $0x1;
	s10 =	ssub.s32 s10, s11  }
0x1b: {  	[tilespmem:s7], [sflag:$0x1] =	stream.indirect_vreg.gather [hbm4b:s2+s5], $0x80, v3, vm0, $0xb8;
	[tilespmem:$0x1080] =	vst v63  }
0x1c: {  	p0 =	sne.s32 s10, $0x1;
	_ =	swait.ge [sflag:s8], $0x1000  }
.Ltmp1:
0x1d: {  	[sflag:s8] =	ssyncset.done $0x0;
	(pc) =	sbr.rel @!p0 .LBB2_3-.Ltmp1, $4  }
0x1e: {  	s9 =	sadd.s32 $0x5800, s9;
	[sflag:s8] =	ssyncadd.s32 $0xFFFFF000  }
0x1f: {  	[hbm4b:s9+s5] =	stream.linear.scatter [tilespmem:s6], [sflag:$0x2], $0x1000, $0x38;
	[tilespmem:$0x1080] =	vst v63  }
0x20: {  	_ =	swait.ge [sflag:s4], $0x1000  }
0x21: {  	s10 =	sadd.s32 $0xFFFFFFFF, s10;
	[sflag:s4] =	ssyncset.done $0x0  }
.LBB2_2:
0x22: {  	p0 =	sne.s32 s10, $0x1;
	s10 =	sadd.s32 $0xFFFFFFFF, s10;
	[sflag:s4] =	ssyncadd.s32 $0xFFFFF000  }
0x23: {  	[tilespmem:s5], [sflag:$0x2] =	stream.linear.gather [hbm4b:s3+s5], $0x80, $0x38;
	[tilespmem:$0x1080] =	vst v63  }
0x24: {  	_ =	swait.ge [sflag:s4], $0x80  }
0x25: {  	[sflag:s4] =	ssyncset.done $0x0  }
0x26: {  	[sflag:s4] =	ssyncadd.s32 $0xFFFFFF80  }
0x27: {  	v3 =	vld [tilespmem:$0x0];
	_ =	sdelay $0x4  }
0x28: {  	v4 =	vshll.u32 v3, $0x1  }
0x29: {  	v3 =	vand.u32 $0x7, v3;
	v4 =	vand.u32 $0xFFFFFFF0, v4  }
0x2a: {  	v3 =	vor.u32 v3, v4  }
0x2b: {  	v4 =	vperm.xlane v3, v0;
	v3 =	vperm.xlane v3, v2;
	_ =	sdelay $0x1  }
0x2c: {  	v4 =	vadd.s32 v1, v4;
	_ =	sdelay $0x1  }
0x2d: {  	v3 =	vadd.s32 v1, v3;
	_ =	sdelay $0x2  }
0x2e: {  	[tilespmem:s6], [sflag:$0x1] =	stream.indirect_vreg.gather [hbm4b:s2+s5], $0x80, v4, vm0, $0xb8;
	[tilespmem:$0x1080] =	vst v63  }
0x2f: {  	_ = 	snop  }
0x30: {  	[tilespmem:s7], [sflag:$0x1] =	stream.indirect_vreg.gather [hbm4b:s2+s5], $0x80, v3, vm0, $0xb8;
	[tilespmem:$0x1080] =	vst v63  }
0x31: {  	_ =	swait.ge [sflag:s8], $0x1000  }
.Ltmp2:
0x32: {  	[sflag:s8] =	ssyncset.done $0x0;
	(pc) =	sbr.rel @p0 .LBB2_2-.Ltmp2, $4  }
0x33: {  	[sflag:s8] =	ssyncadd.s32 $0xFFFFF000  }
0x34: {  	[hbm4b:s9+s5] =	stream.linear.scatter [tilespmem:s6], [sflag:$0x2], $0x1000, $0x38;
	[tilespmem:$0x1080] =	vst v63  }
0x35: {  	_ =	swait.ge [sflag:s4], $0x1000  }
0x36: {  	[sflag:s4] =	ssyncset.done $0x0  }
.LBB2_3:
0x37: {  	[sflag:s4] =	ssyncadd.s32 $0xFFFFF000  }
.LBB2_4:
0x38: {  	_ =	sfence.sel $0x180000  }
0x39: {  	[bflag:$0x0] =	sbarrier.arrive $0xFFFF  }
0x3a: {  	p0 =	sne.s32 s0, $0x0;
	_ =	strace $0x90000047  }
0x3b: {  	s0 =	sadd.s32 @!p0 $0x100000, s1;
	[bflag:$0x2] =	sbarrier.arrive $0xFFFF  }
0x3c: {  	[sflag:s0] =	ssyncadd.tile.s32 @!p0 $0x1;
	_ =	shalt  }
.Lfunc_end2:
_tile_overlayer_lowered:
.L_overlay_start_2:
0x3d: {  	(tag) =	ssettag $0x2  }
0x3e: {  	s0 =	rddreg [dreg:$0x0];
	s2 =	stileid.u32  }
0x3f: {  	s1 =	rddreg [dreg:$0x1];
	p0 =	sne.s32 s2, $0x0  }
0x40: {  	s3 =	rddreg [dreg:$0x2];
	[bflag:$0x3] =	sbarrier.arrive $0xFFFF;
	s2 =	simm.s32 @!p0 $0x1C02  }
0x41: {  	[timem:s3], [sflag:s2] =	dma.local @!p0 [hbm:s0], s1  }
0x42: {  	s0 =	simm.s32 @!p0 $0x2  }
0x43: {  	_ =	swait.ge @!p0 [sflag:s0], s1  }
0x44: {  	s1 =	ssub.s32 @!p0 $0x0, s1;
	[sflag:s0] =	ssyncset.done @!p0 $0x0  }
0x45: {  	[sflag:s0] =	ssyncadd.s32 @!p0 s1  }
0x46: {  	[bflag:$0x3] =	sbarrier.arrive $0xFFFF  }
0x47: {  	_ =	shalt  }

</sc_bundles>
